<compile_context>
chip_gen: v7x
topology: tpu7x:2x2x1
jax: 0.10.2.dev20260603
libtpu: 0.0.44.dev20260713+nightly
codegen_flags: <defaults>
</compile_context>

<pallas_src>
import functools
import jax
import jax.numpy as jnp
from jax import lax
from jax.experimental import pallas as pl
from jax.experimental.pallas import tpu as pltpu, tpu_sc as plsc

_B = 1024
_C = 10000
_S = 64.0
_NEG = -4.0
_C0 = 9488
_NW = 32
_PER_W = 16

_mesh = plsc.VectorSubcoreMesh(core_axis_name="c", subcore_axis_name="s")


@functools.partial(
    pl.kernel,
    mesh=_mesh,
    out_type=[jax.ShapeDtypeStruct((_NW, _B), jnp.float32)] * 3,
    scratch_types=[
        pltpu.VMEM((3, _B), jnp.float32),
        pltpu.VMEM((_B,), jnp.int32),
        pltpu.VMEM((_B,), jnp.float32),
        pltpu.VMEM((_B,), jnp.float32),
        pltpu.VMEM((_B,), jnp.float32),
    ],
)
def _sc_stats(xt_hbm, lab_hbm, m_out, a_out, mn_out, buf, labv, m_t, a_t, mn_t):
    cid = lax.axis_index("c")
    sid = lax.axis_index("s")
    wid = sid * 2 + cid
    c_base = _C0 + wid * _PER_W
    pltpu.sync_copy(lab_hbm, labv)

    def init(ch, carry):
        s16 = pl.ds(ch * 16, 16)
        m_t[s16] = jnp.full((16,), -1e4, jnp.float32)
        a_t[s16] = jnp.zeros((16,), jnp.float32)
        mn_t[s16] = jnp.zeros((16,), jnp.float32)
        return carry

    lax.fori_loop(0, _B // 16, init, 0)

    def per_class(ci, carry):
        c = c_base + ci
        pltpu.sync_copy(xt_hbm.at[:, c, :], buf)

        def per_chunk(ch, inner):
            s16 = pl.ds(ch * 16, 16)
            x0 = buf[0, s16]
            x1 = buf[1, s16]
            x2 = buf[2, s16]
            mx = jnp.maximum(jnp.maximum(x0, x1), x2)
            mn = jnp.minimum(jnp.minimum(x0, x1), x2)
            isl = labv[s16] == c
            t = _S * jnp.where(isl, jnp.float32(_NEG), mx)
            m = m_t[s16]
            m2 = jnp.maximum(m, t)
            a_t[s16] = a_t[s16] * jnp.exp(m - m2) + jnp.exp(t - m2)
            m_t[s16] = m2
            mn_t[s16] = mn_t[s16] + jnp.where(isl, mn, 0.0)
            return inner

        lax.fori_loop(0, _B // 16, per_chunk, 0)
        return carry

    lax.fori_loop(0, _PER_W, per_class, 0)
    pltpu.sync_copy(m_t, m_out.at[wid])
    pltpu.sync_copy(a_t, a_out.at[wid])
    pltpu.sync_copy(mn_t, mn_out.at[wid])


@jax.jit
def _run(xt, lab):
    m, a, mn = _sc_stats(xt, lab)
    return jnp.sum(m) + jnp.sum(a) + jnp.sum(mn)


def kernel(costh, label):
    xt = jnp.transpose(costh, (2, 1, 0))
    return _run(xt, label.astype(jnp.int32))

# --- scband reference (transcript-rebuilt; emitter-appended) ---
"""Pipeline reference for scband-sub-arc-softmax-loss-74363063763044 (READ-ONLY COPY).

The authoritative reference and input builder live on the scoring server;
editing this copy changes nothing except your own understanding.
"""

import jax, jax.numpy as jnp
import numpy as np

MARGIN = 0.5
S = 64.0
B = 1024
NUM_CLASSES = 10000
SUB_K = 3

def setup_inputs(seed: int = 0) -> dict:
    key = jax.random.key(seed)
    k1, k2 = jax.random.split(key)
    # cosine similarities to sub-centers, valid domain for arccos
    costh = jax.random.uniform(k1, (B, NUM_CLASSES, SUB_K), dtype=jnp.float32, minval=-0.99, maxval=0.99)
    label = jax.random.randint(k2, (B,), 0, NUM_CLASSES, dtype=jnp.int32)
    return {"costh": costh, "label": label}

def reference(costh, label):
    # sub-center aggregation: max over sub-centers for negatives, min for the positive class
    cos_max = jnp.max(costh, axis=-1)  # [B, C]
    cos_min = jnp.min(costh, axis=-1)  # [B, C]
    C = cos_max.shape[1]
    # min_costh = one-hot(label); max_costh = 1 - one-hot(label)
    onehot = jax.nn.one_hot(label, C, dtype=cos_max.dtype)
    max_costh = 1.0 - onehot
    costh_agg = cos_max * max_costh + cos_min * onehot
    theta = jnp.arccos(jnp.clip(costh_agg, -1.0, 1.0))
    # delt_theta = margin at the label position
    costh_m = jnp.cos(theta + MARGIN * onehot)
    # iteraion (0) < all_iteraion (0) is False -> no 0.5/0.5 blend
    logits = S * costh_m
    # nn.CrossEntropyLoss (no weight, mean reduction, no smoothing since smooth_ratio=0)
    logp = jax.nn.log_softmax(logits, axis=-1)
    nll = -jnp.take_along_axis(logp, label[:, None].astype(jnp.int32), axis=1)[:, 0]
    return jnp.mean(nll)

if __name__ == "__main__":
    import jax
    _d = setup_inputs()
    print(jax.jit(kernel)(*tuple(_d.values())))

</pallas_src>

<mosaic_0001>
#map = affine_map<(d0, d1) -> (0, 0, 0)>
#map1 = affine_map<(d0, d1) -> (0)>
#map2 = affine_map<(d0, d1) -> (0, 0)>
module attributes {stable_mosaic.version = 14 : i64} {
  func.func @_sc_stats(%arg0: i32, %arg1: i32, %arg2: memref<3x10000x1024xf32, #tpu.memory_space<hbm>>, %arg3: memref<1024xi32, #tpu.memory_space<hbm>>, %arg4: memref<32x1024xf32, #tpu.memory_space<hbm>>, %arg5: memref<32x1024xf32, #tpu.memory_space<hbm>>, %arg6: memref<32x1024xf32, #tpu.memory_space<hbm>>, %arg7: memref<3x1024xf32, #tpu.memory_space<vmem>>, %arg8: memref<1024xi32, #tpu.memory_space<vmem>>, %arg9: memref<1024xf32, #tpu.memory_space<vmem>>, %arg10: memref<1024xf32, #tpu.memory_space<vmem>>, %arg11: memref<1024xf32, #tpu.memory_space<vmem>>) attributes {dimension_semantics = [#tpu.dimension_semantics<core_parallel>, #tpu.dimension_semantics<subcore_parallel>], iteration_bounds = array<i64: 2, 16>, scalar_prefetch = 0 : i64, scratch_operands = 5 : i64, tpu.core_type = #tpu.core_type<sc_vector_subcore>, window_params = [{transform_indices = #map}, {transform_indices = #map1}, {transform_indices = #map2}, {transform_indices = #map2}, {transform_indices = #map2}]} {
    %mul3A = arith.constant 2 : i32
    %mul3A_0 = arith.muli %arg1, %mul3A : i32
    %add3A = arith.addi %mul3A_0, %arg0 : i32
    %mul3A_1 = arith.constant 16 : i32
    %mul3A_2 = arith.muli %add3A, %mul3A_1 : i32
    %add3A_3 = arith.constant 9488 : i32
    %add3A_4 = arith.addi %add3A_3, %mul3A_2 : i32
    "tpu.region"() ({
      %run_scoped3A = tpu.sem_alloc : memref<!tpu.dma_semaphore, #tpu.memory_space<semaphore_mem>>
      tpu.enqueue_dma source(%arg3 : memref<1024xi32, #tpu.memory_space<hbm>>) target(%arg8 : memref<1024xi32, #tpu.memory_space<vmem>>) target_semaphore(%run_scoped3A : memref<!tpu.dma_semaphore, #tpu.memory_space<semaphore_mem>>)
      tpu.wait_dma2 semaphore(%run_scoped3A : memref<!tpu.dma_semaphore, #tpu.memory_space<semaphore_mem>>) src(%arg3 : memref<1024xi32, #tpu.memory_space<hbm>>) dst(%arg8 : memref<1024xi32, #tpu.memory_space<vmem>>)
      tpu.yield
    }) : () -> ()
    %scan3A = arith.constant 0 : i32
    %scan3A_5 = arith.constant 0 : i32
    %scan3A_6 = arith.constant 64 : i32
    %scan3A_7 = arith.addi %scan3A_5, %scan3A_6 : i32
    %scan3A_8 = arith.constant 1 : i32
    scf.for %scan3A_16 = %scan3A_5 to %scan3A_7 step %scan3A_8  : i32 {
      %mul3A_17 = arith.constant 16 : i32
      %mul3A_18 = arith.muli %scan3A_16, %mul3A_17 : i32
      %broadcast_in_dim3A = arith.constant -1.000000e+04 : f32
      %broadcast_in_dim3A_19 = vector.broadcast %broadcast_in_dim3A : f32 to vector<16xf32>
      %swap3A = arith.index_cast %mul3A_18 : i32 to index
      %swap3A_20 = tpu.vector_load %arg9[%swap3A] {strides = array<i32>} : memref<1024xf32, #tpu.memory_space<vmem>>, vector<16xf32>,
      %swap3A_21 = vector.shape_cast %swap3A_20 : vector<16xf32> to vector<16xf32>
      %swap3A_22 = vector.shape_cast %broadcast_in_dim3A_19 : vector<16xf32> to vector<16xf32>
      tpu.vector_store %arg9[%swap3A], %swap3A_22 {strides = array<i32>} : memref<1024xf32, #tpu.memory_space<vmem>>, vector<16xf32>,
      %broadcast_in_dim3A_23 = arith.constant 0.000000e+00 : f32
      %broadcast_in_dim3A_24 = vector.broadcast %broadcast_in_dim3A_23 : f32 to vector<16xf32>
      %swap3A_25 = arith.index_cast %mul3A_18 : i32 to index
      %swap3A_26 = tpu.vector_load %arg10[%swap3A_25] {strides = array<i32>} : memref<1024xf32, #tpu.memory_space<vmem>>, vector<16xf32>,
      %swap3A_27 = vector.shape_cast %swap3A_26 : vector<16xf32> to vector<16xf32>
      %swap3A_28 = vector.shape_cast %broadcast_in_dim3A_24 : vector<16xf32> to vector<16xf32>
      tpu.vector_store %arg10[%swap3A_25], %swap3A_28 {strides = array<i32>} : memref<1024xf32, #tpu.memory_space<vmem>>, vector<16xf32>,
      %broadcast_in_dim3A_29 = arith.constant 0.000000e+00 : f32
      %broadcast_in_dim3A_30 = vector.broadcast %broadcast_in_dim3A_29 : f32 to vector<16xf32>
      %swap3A_31 = arith.index_cast %mul3A_18 : i32 to index
      %swap3A_32 = tpu.vector_load %arg11[%swap3A_31] {strides = array<i32>} : memref<1024xf32, #tpu.memory_space<vmem>>, vector<16xf32>,
      %swap3A_33 = vector.shape_cast %swap3A_32 : vector<16xf32> to vector<16xf32>
      %swap3A_34 = vector.shape_cast %broadcast_in_dim3A_30 : vector<16xf32> to vector<16xf32>
      tpu.vector_store %arg11[%swap3A_31], %swap3A_34 {strides = array<i32>} : memref<1024xf32, #tpu.memory_space<vmem>>, vector<16xf32>,
    }
    %scan3A_9 = arith.constant 64 : i32
    %scan3A_10 = arith.constant 0 : i32
    %scan3A_11 = arith.constant 0 : i32
    %scan3A_12 = arith.constant 16 : i32
    %scan3A_13 = arith.addi %scan3A_11, %scan3A_12 : i32
    %scan3A_14 = arith.constant 1 : i32
    scf.for %scan3A_16 = %scan3A_11 to %scan3A_13 step %scan3A_14  : i32 {
      %add3A_17 = arith.addi %add3A_4, %scan3A_16 : i32
      "tpu.region"() ({
        %run_scoped3A = tpu.sem_alloc : memref<!tpu.dma_semaphore, #tpu.memory_space<semaphore_mem>>
        %dma_start3A = arith.constant 0 : i32
        %dma_start3A_24 = arith.constant 0 : i32
        %dma_start3A_25 = tpu.memref_slice %arg2[%dma_start3A, %add3A_17, %dma_start3A_24] : memref<3x10000x1024xf32, #tpu.memory_space<hbm>> -> memref<3x1x1024xf32, #tpu.memory_space<hbm>>
        %dma_start3A_26 = tpu.memref_squeeze %dma_start3A_25 : memref<3x1x1024xf32, #tpu.memory_space<hbm>> -> memref<3x1024xf32, #tpu.memory_space<hbm>>
        %dma_start3A_27 = arith.constant 0 : i32
        %dma_start3A_28 = arith.constant 0 : i32
        %dma_start3A_29 = tpu.memref_slice %arg2[%dma_start3A_27, %add3A_17, %dma_start3A_28] : memref<3x10000x1024xf32, #tpu.memory_space<hbm>> -> memref<3x1x1024xf32, #tpu.memory_space<hbm>>
        %dma_start3A_30 = tpu.memref_squeeze %dma_start3A_29 : memref<3x1x1024xf32, #tpu.memory_space<hbm>> -> memref<3x1024xf32, #tpu.memory_space<hbm>>
        tpu.enqueue_dma source(%dma_start3A_30 : memref<3x1024xf32, #tpu.memory_space<hbm>>) target(%arg7 : memref<3x1024xf32, #tpu.memory_space<vmem>>) target_semaphore(%run_scoped3A : memref<!tpu.dma_semaphore, #tpu.memory_space<semaphore_mem>>)
        %dma_wait3A = arith.constant 0 : i32
        %dma_wait3A_31 = arith.constant 0 : i32
        %dma_wait3A_32 = tpu.memref_slice %arg2[%dma_wait3A, %add3A_17, %dma_wait3A_31] : memref<3x10000x1024xf32, #tpu.memory_space<hbm>> -> memref<3x1x1024xf32, #tpu.memory_space<hbm>>
        %dma_wait3A_33 = tpu.memref_squeeze %dma_wait3A_32 : memref<3x1x1024xf32, #tpu.memory_space<hbm>> -> memref<3x1024xf32, #tpu.memory_space<hbm>>
        %dma_wait3A_34 = arith.constant 0 : i32
        %dma_wait3A_35 = arith.constant 0 : i32
        %dma_wait3A_36 = tpu.memref_slice %arg2[%dma_wait3A_34, %add3A_17, %dma_wait3A_35] : memref<3x10000x1024xf32, #tpu.memory_space<hbm>> -> memref<3x1x1024xf32, #tpu.memory_space<hbm>>
        %dma_wait3A_37 = tpu.memref_squeeze %dma_wait3A_36 : memref<3x1x1024xf32, #tpu.memory_space<hbm>> -> memref<3x1024xf32, #tpu.memory_space<hbm>>
        tpu.wait_dma2 semaphore(%run_scoped3A : memref<!tpu.dma_semaphore, #tpu.memory_space<semaphore_mem>>) src(%dma_wait3A_37 : memref<3x1024xf32, #tpu.memory_space<hbm>>) dst(%arg7 : memref<3x1024xf32, #tpu.memory_space<vmem>>)
        tpu.yield
      }) : () -> ()
      %scan3A_18 = arith.constant 0 : i32
      %scan3A_19 = arith.constant 0 : i32
      %scan3A_20 = arith.constant 64 : i32
      %scan3A_21 = arith.addi %scan3A_19, %scan3A_20 : i32
      %scan3A_22 = arith.constant 1 : i32
      scf.for %scan3A_24 = %scan3A_19 to %scan3A_21 step %scan3A_22  : i32 {
        %mul3A_25 = arith.constant 16 : i32
        %mul3A_26 = arith.muli %scan3A_24, %mul3A_25 : i32
        %get3A = arith.constant 0 : i32
        %get3A_27 = arith.index_cast %get3A : i32 to index
        %get3A_28 = arith.index_cast %mul3A_26 : i32 to index
        %get3A_29 = tpu.vector_load %arg7[%get3A_27, %get3A_28] {strides = array<i32>} : memref<3x1024xf32, #tpu.memory_space<vmem>>, vector<1x16xf32>,
        %get3A_30 = vector.shape_cast %get3A_29 : vector<1x16xf32> to vector<16xf32>
        %get3A_31 = arith.constant 1 : i32
        %get3A_32 = arith.index_cast %get3A_31 : i32 to index
        %get3A_33 = arith.index_cast %mul3A_26 : i32 to index
        %get3A_34 = tpu.vector_load %arg7[%get3A_32, %get3A_33] {strides = array<i32>} : memref<3x1024xf32, #tpu.memory_space<vmem>>, vector<1x16xf32>,
        %get3A_35 = vector.shape_cast %get3A_34 : vector<1x16xf32> to vector<16xf32>
        %get3A_36 = arith.constant 2 : i32
        %get3A_37 = arith.index_cast %get3A_36 : i32 to index
        %get3A_38 = arith.index_cast %mul3A_26 : i32 to index
        %get3A_39 = tpu.vector_load %arg7[%get3A_37, %get3A_38] {strides = array<i32>} : memref<3x1024xf32, #tpu.memory_space<vmem>>, vector<1x16xf32>,
        %get3A_40 = vector.shape_cast %get3A_39 : vector<1x16xf32> to vector<16xf32>
        %max3A = arith.maximumf %get3A_30, %get3A_35 : vector<16xf32>
        %max3A_41 = arith.maximumf %max3A, %get3A_40 : vector<16xf32>
        %min3A = arith.minimumf %get3A_30, %get3A_35 : vector<16xf32>
        %min3A_42 = arith.minimumf %min3A, %get3A_40 : vector<16xf32>
        %get3A_43 = arith.index_cast %mul3A_26 : i32 to index
        %get3A_44 = tpu.vector_load %arg8[%get3A_43] {strides = array<i32>} : memref<1024xi32, #tpu.memory_space<vmem>>, vector<16xi32>,
        %get3A_45 = vector.shape_cast %get3A_44 : vector<16xi32> to vector<16xi32>
        %eq3A = vector.broadcast %add3A_17 : i32 to vector<16xi32>
        %eq3A_46 = arith.cmpi eq, %get3A_45, %eq3A : vector<16xi32>
        %jit3A = arith.constant -4.000000e+00 : f32
        %broadcast_in_dim3A = vector.broadcast %jit3A : f32 to vector<16xf32>
        %select_n3A = arith.select %eq3A_46, %broadcast_in_dim3A, %max3A_41 : vector<16xi1>, vector<16xf32>
        %mul3A_47 = arith.constant 6.400000e+01 : f32
        %mul3A_48 = vector.broadcast %mul3A_47 : f32 to vector<16xf32>
        %mul3A_49 = arith.mulf %mul3A_48, %select_n3A : vector<16xf32>
        %get3A_50 = arith.index_cast %mul3A_26 : i32 to index
        %get3A_51 = tpu.vector_load %arg9[%get3A_50] {strides = array<i32>} : memref<1024xf32, #tpu.memory_space<vmem>>, vector<16xf32>,
        %get3A_52 = vector.shape_cast %get3A_51 : vector<16xf32> to vector<16xf32>
        %max3A_53 = arith.maximumf %get3A_52, %mul3A_49 : vector<16xf32>
        %get3A_54 = arith.index_cast %mul3A_26 : i32 to index
        %get3A_55 = tpu.vector_load %arg10[%get3A_54] {strides = array<i32>} : memref<1024xf32, #tpu.memory_space<vmem>>, vector<16xf32>,
        %get3A_56 = vector.shape_cast %get3A_55 : vector<16xf32> to vector<16xf32>
        %sub3A = arith.subf %get3A_52, %max3A_53 : vector<16xf32>
        %exp3A = math.exp %sub3A : vector<16xf32>
        %mul3A_57 = arith.mulf %get3A_56, %exp3A : vector<16xf32>
        %sub3A_58 = arith.subf %mul3A_49, %max3A_53 : vector<16xf32>
        %exp3A_59 = math.exp %sub3A_58 : vector<16xf32>
        %add3A_60 = arith.addf %mul3A_57, %exp3A_59 : vector<16xf32>
        %swap3A = arith.index_cast %mul3A_26 : i32 to index
        %swap3A_61 = tpu.vector_load %arg10[%swap3A] {strides = array<i32>} : memref<1024xf32, #tpu.memory_space<vmem>>, vector<16xf32>,
        %swap3A_62 = vector.shape_cast %swap3A_61 : vector<16xf32> to vector<16xf32>
        %swap3A_63 = vector.shape_cast %add3A_60 : vector<16xf32> to vector<16xf32>
        tpu.vector_store %arg10[%swap3A], %swap3A_63 {strides = array<i32>} : memref<1024xf32, #tpu.memory_space<vmem>>, vector<16xf32>,
        %swap3A_64 = arith.index_cast %mul3A_26 : i32 to index
        %swap3A_65 = tpu.vector_load %arg9[%swap3A_64] {strides = array<i32>} : memref<1024xf32, #tpu.memory_space<vmem>>, vector<16xf32>,
        %swap3A_66 = vector.shape_cast %swap3A_65 : vector<16xf32> to vector<16xf32>
        %swap3A_67 = vector.shape_cast %max3A_53 : vector<16xf32> to vector<16xf32>
        tpu.vector_store %arg9[%swap3A_64], %swap3A_67 {strides = array<i32>} : memref<1024xf32, #tpu.memory_space<vmem>>, vector<16xf32>,
        %get3A_68 = arith.index_cast %mul3A_26 : i32 to index
        %get3A_69 = tpu.vector_load %arg11[%get3A_68] {strides = array<i32>} : memref<1024xf32, #tpu.memory_space<vmem>>, vector<16xf32>,
        %get3A_70 = vector.shape_cast %get3A_69 : vector<16xf32> to vector<16xf32>
        %jit3A_71 = arith.constant 0.000000e+00 : f32
        %broadcast_in_dim3A_72 = vector.broadcast %jit3A_71 : f32 to vector<16xf32>
        %select_n3A_73 = arith.select %eq3A_46, %min3A_42, %broadcast_in_dim3A_72 : vector<16xi1>, vector<16xf32>
        %add3A_74 = arith.addf %get3A_70, %select_n3A_73 : vector<16xf32>
        %swap3A_75 = arith.index_cast %mul3A_26 : i32 to index
        %swap3A_76 = tpu.vector_load %arg11[%swap3A_75] {strides = array<i32>} : memref<1024xf32, #tpu.memory_space<vmem>>, vector<16xf32>,
        %swap3A_77 = vector.shape_cast %swap3A_76 : vector<16xf32> to vector<16xf32>
        %swap3A_78 = vector.shape_cast %add3A_74 : vector<16xf32> to vector<16xf32>
        tpu.vector_store %arg11[%swap3A_75], %swap3A_78 {strides = array<i32>} : memref<1024xf32, #tpu.memory_space<vmem>>, vector<16xf32>,
      }
      %scan3A_23 = arith.constant 64 : i32
    }
    %scan3A_15 = arith.constant 16 : i32
    "tpu.region"() ({
      %run_scoped3A = tpu.sem_alloc : memref<!tpu.dma_semaphore, #tpu.memory_space<semaphore_mem>>
      %dma_start3A = arith.constant 0 : i32
      %dma_start3A_16 = tpu.memref_slice %arg4[%add3A, %dma_start3A] : memref<32x1024xf32, #tpu.memory_space<hbm>> -> memref<1x1024xf32, #tpu.memory_space<hbm>>
      %dma_start3A_17 = tpu.memref_squeeze %dma_start3A_16 : memref<1x1024xf32, #tpu.memory_space<hbm>> -> memref<1024xf32, #tpu.memory_space<hbm>>
      %dma_start3A_18 = arith.constant 0 : i32
      %dma_start3A_19 = tpu.memref_slice %arg4[%add3A, %dma_start3A_18] : memref<32x1024xf32, #tpu.memory_space<hbm>> -> memref<1x1024xf32, #tpu.memory_space<hbm>>
      %dma_start3A_20 = tpu.memref_squeeze %dma_start3A_19 : memref<1x1024xf32, #tpu.memory_space<hbm>> -> memref<1024xf32, #tpu.memory_space<hbm>>
      tpu.enqueue_dma source(%arg9 : memref<1024xf32, #tpu.memory_space<vmem>>) target(%dma_start3A_20 : memref<1024xf32, #tpu.memory_space<hbm>>) target_semaphore(%run_scoped3A : memref<!tpu.dma_semaphore, #tpu.memory_space<semaphore_mem>>)
      %dma_wait3A = arith.constant 0 : i32
      %dma_wait3A_21 = tpu.memref_slice %arg4[%add3A, %dma_wait3A] : memref<32x1024xf32, #tpu.memory_space<hbm>> -> memref<1x1024xf32, #tpu.memory_space<hbm>>
      %dma_wait3A_22 = tpu.memref_squeeze %dma_wait3A_21 : memref<1x1024xf32, #tpu.memory_space<hbm>> -> memref<1024xf32, #tpu.memory_space<hbm>>
      %dma_wait3A_23 = arith.constant 0 : i32
      %dma_wait3A_24 = tpu.memref_slice %arg4[%add3A, %dma_wait3A_23] : memref<32x1024xf32, #tpu.memory_space<hbm>> -> memref<1x1024xf32, #tpu.memory_space<hbm>>
      %dma_wait3A_25 = tpu.memref_squeeze %dma_wait3A_24 : memref<1x1024xf32, #tpu.memory_space<hbm>> -> memref<1024xf32, #tpu.memory_space<hbm>>
      tpu.wait_dma2 semaphore(%run_scoped3A : memref<!tpu.dma_semaphore, #tpu.memory_space<semaphore_mem>>) src(%arg9 : memref<1024xf32, #tpu.memory_space<vmem>>) dst(%dma_wait3A_25 : memref<1024xf32, #tpu.memory_space<hbm>>)
      tpu.yield
    }) : () -> ()
    "tpu.region"() ({
      %run_scoped3A = tpu.sem_alloc : memref<!tpu.dma_semaphore, #tpu.memory_space<semaphore_mem>>
      %dma_start3A = arith.constant 0 : i32
      %dma_start3A_16 = tpu.memref_slice %arg5[%add3A, %dma_start3A] : memref<32x1024xf32, #tpu.memory_space<hbm>> -> memref<1x1024xf32, #tpu.memory_space<hbm>>
      %dma_start3A_17 = tpu.memref_squeeze %dma_start3A_16 : memref<1x1024xf32, #tpu.memory_space<hbm>> -> memref<1024xf32, #tpu.memory_space<hbm>>
      %dma_start3A_18 = arith.constant 0 : i32
      %dma_start3A_19 = tpu.memref_slice %arg5[%add3A, %dma_start3A_18] : memref<32x1024xf32, #tpu.memory_space<hbm>> -> memref<1x1024xf32, #tpu.memory_space<hbm>>
      %dma_start3A_20 = tpu.memref_squeeze %dma_start3A_19 : memref<1x1024xf32, #tpu.memory_space<hbm>> -> memref<1024xf32, #tpu.memory_space<hbm>>
      tpu.enqueue_dma source(%arg10 : memref<1024xf32, #tpu.memory_space<vmem>>) target(%dma_start3A_20 : memref<1024xf32, #tpu.memory_space<hbm>>) target_semaphore(%run_scoped3A : memref<!tpu.dma_semaphore, #tpu.memory_space<semaphore_mem>>)
      %dma_wait3A = arith.constant 0 : i32
      %dma_wait3A_21 = tpu.memref_slice %arg5[%add3A, %dma_wait3A] : memref<32x1024xf32, #tpu.memory_space<hbm>> -> memref<1x1024xf32, #tpu.memory_space<hbm>>
      %dma_wait3A_22 = tpu.memref_squeeze %dma_wait3A_21 : memref<1x1024xf32, #tpu.memory_space<hbm>> -> memref<1024xf32, #tpu.memory_space<hbm>>
      %dma_wait3A_23 = arith.constant 0 : i32
      %dma_wait3A_24 = tpu.memref_slice %arg5[%add3A, %dma_wait3A_23] : memref<32x1024xf32, #tpu.memory_space<hbm>> -> memref<1x1024xf32, #tpu.memory_space<hbm>>
      %dma_wait3A_25 = tpu.memref_squeeze %dma_wait3A_24 : memref<1x1024xf32, #tpu.memory_space<hbm>> -> memref<1024xf32, #tpu.memory_space<hbm>>
      tpu.wait_dma2 semaphore(%run_scoped3A : memref<!tpu.dma_semaphore, #tpu.memory_space<semaphore_mem>>) src(%arg10 : memref<1024xf32, #tpu.memory_space<vmem>>) dst(%dma_wait3A_25 : memref<1024xf32, #tpu.memory_space<hbm>>)
      tpu.yield
    }) : () -> ()
    "tpu.region"() ({
      %run_scoped3A = tpu.sem_alloc : memref<!tpu.dma_semaphore, #tpu.memory_space<semaphore_mem>>
      %dma_start3A = arith.constant 0 : i32
      %dma_start3A_16 = tpu.memref_slice %arg6[%add3A, %dma_start3A] : memref<32x1024xf32, #tpu.memory_space<hbm>> -> memref<1x1024xf32, #tpu.memory_space<hbm>>
      %dma_start3A_17 = tpu.memref_squeeze %dma_start3A_16 : memref<1x1024xf32, #tpu.memory_space<hbm>> -> memref<1024xf32, #tpu.memory_space<hbm>>
      %dma_start3A_18 = arith.constant 0 : i32
      %dma_start3A_19 = tpu.memref_slice %arg6[%add3A, %dma_start3A_18] : memref<32x1024xf32, #tpu.memory_space<hbm>> -> memref<1x1024xf32, #tpu.memory_space<hbm>>
      %dma_start3A_20 = tpu.memref_squeeze %dma_start3A_19 : memref<1x1024xf32, #tpu.memory_space<hbm>> -> memref<1024xf32, #tpu.memory_space<hbm>>
      tpu.enqueue_dma source(%arg11 : memref<1024xf32, #tpu.memory_space<vmem>>) target(%dma_start3A_20 : memref<1024xf32, #tpu.memory_space<hbm>>) target_semaphore(%run_scoped3A : memref<!tpu.dma_semaphore, #tpu.memory_space<semaphore_mem>>)
      %dma_wait3A = arith.constant 0 : i32
      %dma_wait3A_21 = tpu.memref_slice %arg6[%add3A, %dma_wait3A] : memref<32x1024xf32, #tpu.memory_space<hbm>> -> memref<1x1024xf32, #tpu.memory_space<hbm>>
      %dma_wait3A_22 = tpu.memref_squeeze %dma_wait3A_21 : memref<1x1024xf32, #tpu.memory_space<hbm>> -> memref<1024xf32, #tpu.memory_space<hbm>>
      %dma_wait3A_23 = arith.constant 0 : i32
      %dma_wait3A_24 = tpu.memref_slice %arg6[%add3A, %dma_wait3A_23] : memref<32x1024xf32, #tpu.memory_space<hbm>> -> memref<1x1024xf32, #tpu.memory_space<hbm>>
      %dma_wait3A_25 = tpu.memref_squeeze %dma_wait3A_24 : memref<1x1024xf32, #tpu.memory_space<hbm>> -> memref<1024xf32, #tpu.memory_space<hbm>>
      tpu.wait_dma2 semaphore(%run_scoped3A : memref<!tpu.dma_semaphore, #tpu.memory_space<semaphore_mem>>) src(%arg11 : memref<1024xf32, #tpu.memory_space<vmem>>) dst(%dma_wait3A_25 : memref<1024xf32, #tpu.memory_space<hbm>>)
      tpu.yield
    }) : () -> ()
    return
  }
}

</mosaic_0001>

<sc_bundles>
// kernel: _run.3.cloned.1.call-start
scs
__scs_entry_jumppad:
0x0: {  	(pc) =	sbr.rel $0x88, $3  }
0x1: {  	(tag) =	ssettag $0x0;
	lr =	simm.s32 $0x1  }
0x2: {  	[smem:$0x3F9F] =	sst lr;
	_ =	strace $0xD0000000  }
0x3: {  	_ = 	snop  }
0x4: {  	_ = 	snop  }
0x5: {  	_ = 	snop  }
0x6: {  	_ = 	snop  }
0x7: {  	_ = 	snop  }
__scs_overlays_trampoline_lowered:
0x8: {  	[smem:$0x3FAE] =	sst s0  }
0x9: {  	[smem:$0x3FAF] =	sst s1  }
0xa: {  	[smem:$0x3FB0] =	sst s2  }
0xb: {  	[smem:$0x3FB1] =	sst s3  }
0xc: {  	[smem:$0x3FB2] =	sst s4  }
0xd: {  	[smem:$0x3FB3] =	sst s5  }
0xe: {  	[smem:$0x3FB4] =	sst s6  }
0xf: {  	[smem:$0x3FB5] =	sst s7  }
0x10: {  	[smem:$0x3FB6] =	sst s8  }
0x11: {  	[smem:$0x3FB7] =	sst s9;
	s0 =	simm.s32 @!p0 $0x0  }
0x12: {  	s1 =	sld [smem:$0x3F9D];
	s0 =	simm.s32 @p0 $0x1  }
0x13: {  	[smem:$0x3FB8] =	sst s0;
	s0 =	simm.s32 @!p1 $0x0  }
0x14: {  	s2 =	sld [smem:$0x3F9C];
	s0 =	simm.s32 @p1 $0x1  }
0x15: {  	[smem:$0x3FB9] =	sst s0;
	s0 =	simm.s32 @!p2 $0x0  }
0x16: {  	s3 =	sld [smem:$0x3FDB];
	s0 =	simm.s32 @p2 $0x1  }
0x17: {  	s4 =	simm.s32 $0x1BF5;
	[smem:$0x3FBB] =	sst s0  }
0x18: {  	s0 =	sld [smem:$0x3F9E];
	_ =	swait.ge [sflag:s4], $0x0  }
0x19: {  	s7 =	sld [smem:$0x3F9F]  }
0x1a: {  	s8 =	sadd.s32 $0xFFFFE003, lr  }
0x1b: {  	s9 =	sadd.s32 $0xFFFFFEF7, lr;
	s5 =	simm.s32 $0xFFFFFFFF;
	p2 =	slt.u32 s8, $0xFFFFF086  }
0x1c: {  	p1 =	slt.u32 s9, $0xF7A;
	s5 =	simm.s32 @!p2 $0x0  }
0x1d: {  	s5 =	simm.s32 @p1 $0x1;
	p0 =	seq.s32 s7, s2  }
0x1e: {  	s7 =	smul.u32 @!p0 $0xF7A, s2;
	p2 =	seq.s32 @!p0 s5, $0x0  }
0x1f: {  	s9 =	smul.u32 $0xF7A, s1;
	s8 =	simm.s32 @!p0 $0x1BF5;
	p2 =	por !p2, p0  }
0x20: {  	[sflag:s8] =	ssyncset.s32 @!p0 $0xFFFFF086;
	s6 =	sadd.s32 @!p0 s3, s7;
	s7 =	simm.s32 @!p0 $0x108  }
0x21: {  	s3 =	sadd.s32 s3, s9;
	s6 =	sadd.s32 @!p0 $0x88, s6;
	s7 =	simm.s32 @p2 $0x1082  }
0x22: {  	[simem:s7], [sflag:s8] =	dma.local @!p0 [hbm:s6], $0xF7A  }
0x23: {  	s9 =	sor.u32 $0xD0000000, s2;
	s6 =	simm.s32 $0x108;
	_ =	swait.ge @!p0 [sflag:s8], $0x0  }
0x24: {  	s3 =	sadd.s32 $0x88, s3;
	s6 =	simm.s32 @!p1 $0x1082;
	[sflag:s4] =	ssyncset.s32 $0xFFFFF086  }
0x25: {  	[simem:s6], [sflag:s4] =	dma.local [hbm:s3], $0xF7A  }
0x26: {  	[smem:$0x3F9F] =	sst s1;
	(tag) =	ssettag s2;
	_ =	strace s9  }
0x27: {  	s1 =	sld [smem:$0x3FAF]  }
0x28: {  	s2 =	sld [smem:$0x3FB0]  }
0x29: {  	s4 =	sld [smem:$0x3FB2]  }
0x2a: {  	p0 =	seq.s32 s5, $0x0;
	s5 =	sld [smem:$0x3FB3]  }
0x2b: {  	s6 =	sld [smem:$0x3FB4]  }
0x2c: {  	s7 =	sld [smem:$0x3FB5]  }
0x2d: {  	s3 =	simm.s32 $0x108;
	s8 =	sld [smem:$0x3FB6]  }
0x2e: {  	s3 =	simm.s32 @!p0 $0x1082;
	s9 =	sld [smem:$0x3FB7]  }
0x2f: {  	lr =	sadd.s32 s0, s3;
	s0 =	sld [smem:$0x3FAE]  }
0x30: {  	s3 =	sld [smem:$0x3FB1]  }
0x31: {  	[smem:$0x3FBA] =	sst s10  }
0x32: {  	s10 =	sld [smem:$0x3FB8];
	_ =	sdelay $0x3  }
0x33: {  	p0 =	seq.s32 s10, $0x1;
	s10 =	sld [smem:$0x3FBA];
	_ =	sdelay $0x3  }
0x34: {  	[smem:$0x3FBA] =	sst s10  }
0x35: {  	s10 =	sld [smem:$0x3FB9];
	_ =	sdelay $0x3  }
0x36: {  	p1 =	seq.s32 s10, $0x1;
	s10 =	sld [smem:$0x3FBA];
	_ =	sdelay $0x3  }
0x37: {  	[smem:$0x3FBA] =	sst s10  }
0x38: {  	s10 =	sld [smem:$0x3FBB]  }
0x39: {  	_ = 	snop;
	(pc) =	sbr.ind lr, $3  }
0x3a: {  	_ = 	snop  }
0x3b: {  	_ = 	snop  }
0x3c: {  	p2 =	seq.s32 s10, $0x1;
	s10 =	sld [smem:$0x3FBA]  }
0x3d: {  	_ =	shalt  }
0x3e: {  	_ =	shalt  }
0x3f: {  	_ =	shalt  }
0x40: {  	_ =	shalt  }
0x41: {  	_ =	shalt  }
0x42: {  	_ =	shalt  }
0x43: {  	_ =	shalt  }
0x44: {  	_ =	shalt  }
0x45: {  	_ =	shalt  }
0x46: {  	_ =	shalt  }
0x47: {  	_ =	shalt  }
0x48: {  	_ =	shalt  }
0x49: {  	_ =	shalt  }
0x4a: {  	_ =	shalt  }
0x4b: {  	_ =	shalt  }
0x4c: {  	_ =	shalt  }
0x4d: {  	_ =	shalt  }
0x4e: {  	_ =	shalt  }
0x4f: {  	_ =	shalt  }
0x50: {  	_ =	shalt  }
0x51: {  	_ =	shalt  }
0x52: {  	_ =	shalt  }
0x53: {  	_ =	shalt  }
0x54: {  	_ =	shalt  }
0x55: {  	_ =	shalt  }
0x56: {  	_ =	shalt  }
0x57: {  	_ =	shalt  }
0x58: {  	_ =	shalt  }
0x59: {  	_ =	shalt  }
0x5a: {  	_ =	shalt  }
0x5b: {  	_ =	shalt  }
0x5c: {  	_ =	shalt  }
0x5d: {  	_ =	shalt  }
0x5e: {  	_ =	shalt  }
0x5f: {  	_ =	shalt  }
0x60: {  	_ =	shalt  }
0x61: {  	_ =	shalt  }
0x62: {  	_ =	shalt  }
0x63: {  	_ =	shalt  }
0x64: {  	_ =	shalt  }
0x65: {  	_ =	shalt  }
0x66: {  	_ =	shalt  }
0x67: {  	_ =	shalt  }
0x68: {  	_ =	shalt  }
0x69: {  	_ =	shalt  }
0x6a: {  	_ =	shalt  }
0x6b: {  	_ =	shalt  }
0x6c: {  	_ =	shalt  }
0x6d: {  	_ =	shalt  }
0x6e: {  	_ =	shalt  }
0x6f: {  	_ =	shalt  }
0x70: {  	_ =	shalt  }
0x71: {  	_ =	shalt  }
0x72: {  	_ =	shalt  }
0x73: {  	_ =	shalt  }
0x74: {  	_ =	shalt  }
0x75: {  	_ =	shalt  }
0x76: {  	_ =	shalt  }
0x77: {  	_ =	shalt  }
0x78: {  	_ =	shalt  }
0x79: {  	_ =	shalt  }
0x7a: {  	_ =	shalt  }
0x7b: {  	_ =	shalt  }
0x7c: {  	_ =	shalt  }
0x7d: {  	_ =	shalt  }
0x7e: {  	_ =	shalt  }
0x7f: {  	_ =	shalt  }
0x80: {  	_ =	shalt  }
0x81: {  	_ =	shalt  }
0x82: {  	_ =	shalt  }
0x83: {  	_ =	shalt  }
0x84: {  	_ =	shalt  }
0x85: {  	_ =	shalt  }
0x86: {  	_ =	shalt  }
0x87: {  	_ =	shalt  }
.Lfunc_end0:
.L_simem_size_0:
called_computation_lowered:
.L_overlay_start_0:
0x88: {  	s2 =	sld [smem:$0x3FD9]  }
0x89: {  	s3 =	sld [smem:$0x3FFE];
	_ =	sdelay $0x1  }
0x8a: {  	s1 =	srdreg.scid  }
0x8b: {  	s0 =	sand.u32 $0x1, s1  }
0x8c: {  	s17 =	sshll.u32 s0, $0xA;
	s2 =	sadd.s32 s3, s2  }
0x8d: {  	s2 =	sadd.s32 s2, s17  }
0x8e: {  	[smem:$0x3FC6] =	sst s2  }
0x8f: {  	_ = 	snop  }
0x90: {  	s2 =	sld [smem:$0x3FC9]  }
0x91: {  	s18 =	sld [smem:$0x3FC8];
	(tm) =	ssettm $0x1  }
0x92: {  	s4 =	sld [smem:$0x3FFB];
	_ =	sdelay $0x3  }
0x93: {  	_ =	strace s4  }
0x94: {  	s4 =	sld [smem:$0x3FFC];
	_ =	sdelay $0x3  }
0x95: {  	_ =	strace s4  }
0x96: {  	s4 =	sld [smem:$0x3FFD];
	_ =	sdelay $0x3  }
0x97: {  	_ =	strace s4  }
0x98: {  	_ =	strace $0x8FFFFFFF  }
0x99: {  	s19 =	sld [smem:$0x3FDB];
	_ =	sdelay $0x1  }
0x9a: {  	s5 =	simm.s32 $_scs_section_size  }
0x9b: {  	s6 =	simm.s32 $_size__tile_overlayer_lowered;
	s7 =	simm.s32 $_tile_overlayer_lowered  }
0x9c: {  	s22 =	simm.s32 $0x1BFF;
	s21 =	sshll.u32 s7, $0x1;
	s4 =	sadd.s32 s5, s19  }
0x9d: {  	s8 =	simm.s32 $0x0;
	s20 =	sshll.u32 s6, $0x1;
	s6 =	sadd.s32 s21, s4  }
0x9e: {  	[timem:s8], [sflag:s22] =	dma.local [hbm:s6], s20  }
0x9f: {  	_ =	swait.ge [sflag:s22], s20  }
0xa0: {  	s5 =	ssub.s32 $0x0, s20;
	[sflag:s22] =	ssyncset.done $0x0  }
0xa1: {  	[sflag:s22] =	ssyncadd.s32 s5;
	_ =	sdelay $0x1  }
0xa2: {  	s23 =	simm.s32 $0x1B8B  }
0xa3: {  	_ =	swait.ge [sflag:s23], $0x1  }
0xa4: {  	[sflag:s23] =	ssyncset.done $0x0  }
0xa5: {  	s25 =	simm.s32 $0x1B8E;
	s24 =	sld [smem:$0x3FFE];
	[sflag:s23] =	ssyncadd.s32 $0xFFFFFFFF  }
0xa6: {  	s26 =	simm.s32 $execute0_lowered;
	[smem:$0x3FD2] =	sst s25  }
0xa7: {  	s6 =	sshll.u32 s26, $0x1;
	_ =	strace $0x80000046;
	[dreg:$0x1] =	wrdreg $0xFFFFFFFF  }
0xa8: {  	s28 =	simm.s32 $_size_execute0_lowered;
	s4 =	sadd.s32 s4, s6;
	[dreg:$0x0] =	wrdreg $0x0  }
0xa9: {  	s6 =	sshll.u32 s28, $0x1;
	[dreg:$0x2] =	wrdreg s4  }
0xaa: {  	[dreg:$0x3] =	wrdreg s6  }
0xab: {  	[dreg:$0x4] =	wrdreg $0xC0  }
0xac: {  	_ =	task [dreg:s8], $0x5FFFF  }
0xad: {  	[dreg:$0x1] =	wrdreg $0xFFFFFFFF  }
0xae: {  	[dreg:$0x0] =	wrdreg $0x60  }
0xaf: {  	[dreg:$0x2] =	wrdreg s2  }
0xb0: {  	[dreg:$0x3] =	wrdreg s18  }
0xb1: {  	[dreg:$0x4] =	wrdreg s24  }
0xb2: {  	[dreg:$0x5] =	wrdreg $0x9  }
0xb3: {  	_ =	task.clear_ibuf [dreg:s8], $0x6FFFF;
	_ =	strace $0x90000046  }
0xb4: {  	s29 =	simm.s32 $0x9;
	_ =	strace $0x80000048  }
0xb5: {  	_ =	swait.ge [sflag:s29], $0x1  }
0xb6: {  	[sflag:s29] =	ssyncadd.s32 $0xFFFFFFFF  }
0xb7: {  	_ =	strace $0x90000048  }
0xb8: {  	_ =	sfence  }
0xb9: {  	s30 =	sld [smem:$0x0];
	_ =	sdelay $0x2  }
0xba: {  	s31 =	sshll.u32 s1, $0xD;
	s1 =	sshrl.u32 s1, $0x2  }
0xbb: {  	s3 =	sand.u32 $0x4000, s31;
	s1 =	sadd.s32 s1, s30  }
0xbc: {  	s0 =	sor.u32 s3, s0;
	s1 =	sshll.u32 s1, $0x11  }
0xbd: {  	s0 =	sor.u32 s1, s0  }
0xbe: {  	s0 =	sadd.s32 $0x8F2B, s0  }
0xbf: {  	[sflag:s0] =	ssyncadd.remote.s32 $0x1  }
0xc0: {  	_ =	sfence.sel $0xFFFF  }
0xc1: {  	[dreg:$0x0] =	wrdreg $0xFFFFFFFF;
	(pc) =	sbr.abs _section_cstart, $3  }
0xc2: {  	[dreg:$0x1] =	wrdreg $0xFFFFFFFF  }
0xc3: {  	_ =	task.clear_ibuf [dreg:s8], $0x2FFFF;
	_ =	strace $0x9FFFFFFF  }
0xc4: {  	(tm) =	ssettm $0x7FFFFFFF  }
0xc5: {  	_ =	shalt  }
tec
execute0_lowered:
.L_overlay_start_1:
0x0: {  	(tag) =	ssettag $0x1  }
0x1: {  	s2 =	rddreg [dreg:$0x0]  }
0x2: {  	s3 =	rddreg [dreg:$0x1];
	s0 =	srdreg.scid  }
0x3: {  	s6 =	rddreg [dreg:$0x2];
	s1 =	stileid.u32  }
0x4: {  	s4 =	simm.s32 $0x0;
	s10 =	simm.s32 $0x1000;
	s11 =	simm.s32 $0x1  }
0x5: {  	s12 =	simm.s32 $0x80;
	s13 =	simm.s32 $0x9C4000;
	s14 =	simm.s32 $0x200  }
0x6: {  	s15 =	simm.s32 $0x400;
	s16 =	simm.s32 $0x600;
	s17 =	simm.s32 $0x800  }
0x7: {  	s18 =	simm.s32 $0xA00;
	s19 =	simm.s32 $0xC00;
	s20 =	simm.s32 $0xE00  }
0x8: {  	s21 =	simm.s32 $0x1400;
	s22 =	simm.s32 $0x1800;
	s5 =	sand.u32 $0x1, s0  }
0x9: {  	s23 =	simm.s32 $0x1C00;
	s7 =	sshll.u32 s1, $0x5;
	s8 =	sshll.u32 s5, $0x4  }
0xa: {  	s24 =	simm.s32 $0x0;
	s31 =	sshll.u32 s1, $0x8;
	s7 =	sor.u32 s8, s7  }
0xb: {  	[smem:$0x7FF] =	sst s4;
	s5 =	ssub.s32 $0x2, s5;
	s8 =	sor.u32 s31, s7  }
0xc: {  	_ =	strace $0x80000047;
	s9 =	sshrl.u32 s5, $0x1;
	s8 =	sand.u32 $0xC70, s8  }
0xd: {  	s9 =	ssub.s32 s5, s9;
	s5 =	sadd.s32 $0x2510, s7;
	s6 =	sadd.s32 s6, s8  }
0xe: {  	v0 =	vimm.f32 $-1.000000000e+04;
	v1 =	vimm.f32 $0.0e+00;
	s9 =	smax.u32 s9, $0x1;
	s7 =	sadd.s32 $0x2000, s6;
	s8 =	sadd.s32 $0x1000, s6  }
.LBB2_1:
0xf: {  	[tilespmem:s10], [sflag:$0x1] =	stream.linear.gather [hbm4b:s3+s4], $0x400, $0x38;
	[tilespmem:$0x2000] =	vst v63  }
0x10: {  	_ =	swait.ge [sflag:s11], $0x400  }
0x11: {  	[sflag:s11] =	ssyncset.done $0x0  }
0x12: {  	s25 =	simm.s32 $0x40;
	s26 =	simm.s32 $0x0;
	[sflag:s11] =	ssyncadd.s32 $0xFFFFFC00  }
.LBB2_2:
0x13: {  	p0 =	sne.s32 s25, $0xFC0;
	[tilespmem:s26+$0x1C00] =	vst v1;
	s28 =	smov.u32 s25;
	s25 =	sadd.s32 $0x40, s25  }
.Ltmp0:
0x14: {  	[tilespmem:s26+$0x1400] =	vst v0;
	(pc) =	sbr.rel @p0 .LBB2_2-.Ltmp0, $2  }
0x15: {  	[tilespmem:s26+$0x1800] =	vst v1;
	_ =	sdelay $0x2  }
0x16: {  	s26 =	sshra.s32 s28, $0x2  }
0x17: {  	[tilespmem:s26+$0x1C00] =	vst v1  }
0x18: {  	[tilespmem:s26+$0x1400] =	vst v0  }
0x19: {  	s25 =	simm.s32 $0x0;
	[tilespmem:s26+$0x1800] =	vst v1;
	s26 =	simm.s32 $0x0  }
.LBB2_4:
0x1a: {  	s29 =	sadd.s32 s5, s26;
	s28 =	sshll.u32 s26, $0x4  }
0x1b: {  	s30 =	sshll.u32 s29, $0x7;
	s28 =	sand.u32 $0x70, s28  }
0x1c: {  	s30 =	sand.u32 $0xFFFFC00, s30;
	s28 =	sadd.s32 s2, s28  }
0x1d: {  	s28 =	sadd.s32 s30, s28  }
0x1e: {  	[tilespmem:s25], [sflag:$0x1] =	stream.strided.gather [hbm4b:s28+s12], $0x180, s13, s12, $0x38;
	[tilespmem:$0x2000] =	vst v63  }
0x1f: {  	s30 =	sadd.s32 $0x80, s28  }
0x20: {  	[tilespmem:s14], [sflag:$0x1] =	stream.strided.gather [hbm4b:s30+s12], $0x180, s13, s12, $0x38;
	[tilespmem:$0x2000] =	vst v63  }
0x21: {  	s30 =	sadd.s32 $0x100, s28  }
0x22: {  	[tilespmem:s15], [sflag:$0x1] =	stream.strided.gather [hbm4b:s30+s12], $0x180, s13, s12, $0x38;
	[tilespmem:$0x2000] =	vst v63  }
0x23: {  	s30 =	sadd.s32 $0x180, s28  }
0x24: {  	[tilespmem:s16], [sflag:$0x1] =	stream.strided.gather [hbm4b:s30+s12], $0x180, s13, s12, $0x38;
	[tilespmem:$0x2000] =	vst v63  }
0x25: {  	s30 =	sadd.s32 $0x200, s28  }
0x26: {  	[tilespmem:s17], [sflag:$0x1] =	stream.strided.gather [hbm4b:s30+s12], $0x180, s13, s12, $0x38;
	[tilespmem:$0x2000] =	vst v63  }
0x27: {  	s30 =	sadd.s32 $0x280, s28  }
0x28: {  	[tilespmem:s18], [sflag:$0x1] =	stream.strided.gather [hbm4b:s30+s12], $0x180, s13, s12, $0x38;
	[tilespmem:$0x2000] =	vst v63  }
0x29: {  	s30 =	sadd.s32 $0x300, s28  }
0x2a: {  	[tilespmem:s19], [sflag:$0x1] =	stream.strided.gather [hbm4b:s30+s12], $0x180, s13, s12, $0x38;
	[tilespmem:$0x2000] =	vst v63  }
0x2b: {  	s28 =	sadd.s32 $0x380, s28  }
0x2c: {  	[tilespmem:s20], [sflag:$0x1] =	stream.strided.gather [hbm4b:s28+s12], $0x180, s13, s12, $0x38;
	[tilespmem:$0x2000] =	vst v63  }
0x2d: {  	_ =	swait.ge [sflag:s11], $0xC00  }
0x2e: {  	s31 =	sand.u32 $0xE00, s25;
	[sflag:s11] =	ssyncset.done $0x0  }
0x2f: {  	s30 =	sand.u32 $0x70, s25;
	s28 =	simm.s32 $0x0;
	[sflag:s11] =	ssyncadd.s32 $0xFFFFF400  }
0x30: {  	v2 =	vmov s29;
	s29 =	simm.s32 $0x10;
	s31 =	sor.u32 s30, s31;
	s30 =	simm.s32 $0x0;
	v3 =	vld [tilespmem:s28+$0x1000]  }
.LBB2_5:
0x31: {  	p0 =	sne.s32 s29, $0x3F0;
	v4 =	vld [tilespmem:s31+$0x80]  }
0x32: {  	v5 =	vld [tilespmem:s31+$0x0]  }
0x33: {  	v6 =	vld [tilespmem:s31+$0x100];
	_ =	sdelay $0x1  }
0x34: {  	v7 =	vld [tilespmem:s28+$0x1C00];
	_ =	sdelay $0x1  }
0x35: {  	v8 =	vmax.f32 v5, v4;
	v4 =	vmin.f32 v5, v4;
	v5 =	vld [tilespmem:s28+$0x1400]  }
0x36: {  	vm0 =	veq.s32 v3, v2;
	v8 =	vmax.f32 v8, v6;
	v4 =	vmin.f32 v4, v6  }
0x37: {  	v3 =	vmul.f32 $6.400000000e+01, v8;
	v4 =	vnsel vm0, $0x0, v4  }
0x38: {  	v4 =	vadd.f32 v7, v4  }
0x39: {  	v3 =	vsel vm0, $0xC3800000, v3  }
0x3a: {  	v6 =	vmax.f32 v5, v3;
	[tilespmem:s28+$0x1C00] =	vst v4  }
0x3b: {  	v4 =	vsub.f32 v5, v6;
	[tilespmem:s28+$0x1400] =	vst v6;
	_ =	sdelay $0x1  }
0x3c: {  	v3 =	vsub.f32 v3, v6;
	v4 =	vmul.f32 $1.442695020e+00, v4;
	_ =	sdelay $0x1  }
0x3d: {  	v3 =	vmul.f32 $1.442695020e+00, v3;
	(erf) = vpow2.f32 v4;
	_ =	sdelay $0x1  }
0x3e: {  	(erf) = vpow2.f32 v3;
	_ =	sdelay $0x2  }
0x3f: {  	v3 =	vld [tilespmem:s28+$0x1800];
	_ =	sdelay $0x3  }
0x40: {  	v4 =	vpop (erf)  }
.Ltmp1:
0x41: {  	v3 =	vmul.f32 v4, v3;
	(pc) =	sbr.rel @p0 .LBB2_5-.Ltmp1, $4  }
0x42: {  	v4 =	vpop (erf)  }
0x43: {  	s30 =	sadd.s32 $0x40, s30;
	v4 =	vadd.f32 v3, v4  }
0x44: {  	s0 =	sand.u32 $0xE00, s30;
	s1 =	sshra.s32 s30, $0x2;
	s31 =	sand.u32 $0x70, s29  }
0x45: {  	s29 =	sadd.s32 $0x10, s29;
	s31 =	sor.u32 s31, s0;
	v3 =	vld [tilespmem:s1+$0x1000];
	[tilespmem:s28+$0x1800] =	vst v4;
	s28 =	smov.u32 s1  }
0x46: {  	v4 =	vld [tilespmem:s31+$0x80]  }
0x47: {  	v5 =	vld [tilespmem:s31+$0x0]  }
0x48: {  	v6 =	vld [tilespmem:s31+$0x100];
	_ =	sdelay $0x3  }
0x49: {  	v8 =	vld [tilespmem:s28+$0x1400];
	v7 =	vmax.f32 v5, v4  }
0x4a: {  	v7 =	vmax.f32 v7, v6  }
0x4b: {  	v7 =	vmul.f32 $6.400000000e+01, v7  }
0x4c: {  	vm0 =	veq.s32 v3, v2  }
0x4d: {  	v2 =	vsel vm0, $0xC3800000, v7  }
0x4e: {  	v3 =	vmax.f32 v8, v2  }
0x4f: {  	v8 =	vsub.f32 v8, v3;
	_ =	sdelay $0x1  }
0x50: {  	v2 =	vsub.f32 v2, v3;
	v63 =	vmul.f32 $1.442695020e+00, v8;
	_ =	sdelay $0x1  }
0x51: {  	v2 =	vmul.f32 $1.442695020e+00, v2;
	(erf) = vpow2.f32 v63;
	_ =	sdelay $0x1  }
0x52: {  	(erf) = vpow2.f32 v2;
	_ =	sdelay $0x2  }
0x53: {  	v2 =	vld [tilespmem:s28+$0x1800]  }
0x54: {  	v62 =	vld [tilespmem:s28+$0x1C00];
	_ =	sdelay $0x1  }
0x55: {  	s26 =	sadd.s32 $0x1, s26;
	v4 =	vmin.f32 v5, v4  }
0x56: {  	p0 =	sne.s32 s26, $0x10;
	v4 =	vmin.f32 v4, v6;
	[tilespmem:s28+$0x1400] =	vst v3;
	v3 =	vpop (erf)  }
.Ltmp2:
0x57: {  	v4 =	vnsel vm0, $0x0, v4;
	v2 =	vmul.f32 v3, v2;
	(pc) =	sbr.rel @p0 .LBB2_4-.Ltmp2, $4  }
0x58: {  	v4 =	vadd.f32 v62, v4;
	v3 =	vpop (erf)  }
0x59: {  	v2 =	vadd.f32 v2, v3  }
0x5a: {  	[tilespmem:s28+$0x1C00] =	vst v4  }
0x5b: {  	[tilespmem:s28+$0x1800] =	vst v2  }
0x5c: {  	[hbm4b:s7+s12] =	stream.strided.scatter [tilespmem:s21], [sflag:$0x1], $0x400, s15, s12, $0x38;
	[tilespmem:$0x2000] =	vst v63  }
0x5d: {  	_ =	swait.ge [sflag:s11], $0x400  }
0x5e: {  	[sflag:s11] =	ssyncset.done $0x0  }
0x5f: {  	[sflag:s11] =	ssyncadd.s32 $0xFFFFFC00  }
0x60: {  	[hbm4b:s8+s12] =	stream.strided.scatter [tilespmem:s22], [sflag:$0x1], $0x400, s15, s12, $0x38;
	[tilespmem:$0x2000] =	vst v63  }
0x61: {  	s24 =	sadd.s32 $0x1, s24;
	_ =	swait.ge [sflag:s11], $0x400  }
0x62: {  	p0 =	sne.s32 s24, s9;
	[sflag:s11] =	ssyncset.done $0x0  }
.Ltmp3:
0x63: {  	[sflag:s11] =	ssyncadd.s32 $0xFFFFFC00;
	(pc) =	sbr.rel @p0 .LBB2_1-.Ltmp3, $4  }
0x64: {  	[hbm4b:s6+s12] =	stream.strided.scatter [tilespmem:s23], [sflag:$0x1], $0x400, s15, s12, $0x38;
	[tilespmem:$0x2000] =	vst v63  }
0x65: {  	_ =	swait.ge [sflag:s11], $0x400  }
0x66: {  	[sflag:s11] =	ssyncset.done $0x0  }
0x67: {  	[sflag:s11] =	ssyncadd.s32 $0xFFFFFC00  }
0x68: {  	_ =	sfence.sel $0x180000  }
0x69: {  	[bflag:$0x0] =	sbarrier.arrive $0xFFFF  }
0x6a: {  	_ =	strace $0x90000047  }
0x6b: {  	s0 =	stileid.u32;
	[bflag:$0x2] =	sbarrier.arrive $0xFFFF  }
0x6c: {  	p0 =	sne.s32 s0, $0x0;
	s0 =	rddreg [dreg:$0x3]  }
0x6d: {  	s0 =	sadd.s32 @!p0 $0x100000, s0  }
0x6e: {  	[sflag:s0] =	ssyncadd.tile.s32 @!p0 $0x1;
	_ =	shalt  }
.Lfunc_end2:
_tile_overlayer_lowered:
.L_overlay_start_2:
0x6f: {  	(tag) =	ssettag $0x2  }
0x70: {  	s0 =	rddreg [dreg:$0x0];
	s2 =	stileid.u32  }
0x71: {  	s1 =	rddreg [dreg:$0x1];
	p0 =	sne.s32 s2, $0x0  }
0x72: {  	s3 =	rddreg [dreg:$0x2];
	[bflag:$0x3] =	sbarrier.arrive $0xFFFF;
	s2 =	simm.s32 @!p0 $0x1C01  }
0x73: {  	[timem:s3], [sflag:s2] =	dma.local @!p0 [hbm:s0], s1  }
0x74: {  	s0 =	simm.s32 @!p0 $0x1  }
0x75: {  	_ =	swait.ge @!p0 [sflag:s0], s1  }
0x76: {  	s1 =	ssub.s32 @!p0 $0x0, s1;
	[sflag:s0] =	ssyncset.done @!p0 $0x0  }
0x77: {  	[sflag:s0] =	ssyncadd.s32 @!p0 s1  }
0x78: {  	[bflag:$0x3] =	sbarrier.arrive $0xFFFF  }
0x79: {  	_ =	shalt  }

</sc_bundles>
